<compile_context>
chip_gen: v7x
topology: tpu7x:2x2x1
jax: 0.10.2.dev20260603
libtpu: 0.0.44.dev20260713+nightly
codegen_flags: <defaults>
</compile_context>

<pallas_src>
import jax
import jax.numpy as jnp
from jax import lax
from jax.experimental import pallas as pl
from jax.experimental.pallas import tpu as pltpu
from jax.experimental.pallas import tpu_sc as plsc

C = 65536
B = 4096
D = 64
PR = C // 128
KI = 16
IR = PR // KI
SR = B // 128
PADR = 48
SROWS = SR + 2 * PADR
NT = 32
RPT = C // NT
CHUNK = 512
NCH = RPT // CHUNK
S = 512
KF = C // S
NB = B // S + 1


def _im_i0(i):
    z = jnp.int32(0)
    return (lax.convert_element_type(i, jnp.int32), z)


def _im_00(i):
    z = jnp.int32(0)
    return (z, z)



def _sc_body(q_hbm, s_hbm, n_hbm, buf0, buf1, si0, si1, so0, so1, to0, to1):
    cid = lax.axis_index("c")
    sid = lax.axis_index("s")
    wid = sid * 2 + cid
    base = wid * RPT
    bufs = (buf0, buf1)
    sin = (si0, si1)
    sout = (so0, so1)
    tout = (to0, to1)
    h_s = [None, None]
    h_n = [None, None]
    for k in range(NCH):
        b = k % 2
        if h_s[b] is not None:
            h_s[b].wait()
            h_n[b].wait()
        r0 = base + k * CHUNK
        pltpu.async_copy(q_hbm.at[pl.ds(r0, CHUNK), :], bufs[b], sin[b]).wait()
        h_s[b] = pltpu.async_copy(bufs[b], s_hbm.at[pl.ds(r0, CHUNK), :],
                                  sout[b])
        h_n[b] = pltpu.async_copy(bufs[b], n_hbm.at[pl.ds(r0, CHUNK), :],
                                  tout[b])
    for b in range(2):
        h_s[b].wait()
        h_n[b].wait()


def _sc_copies(queue_embeddings):
    emb2d = jax.ShapeDtypeStruct((C, D), jnp.float32)
    fn = pl.kernel(
        _sc_body,
        out_type=[emb2d, emb2d],
        mesh=plsc.VectorSubcoreMesh(
            core_axis_name="c", subcore_axis_name="s",
            num_cores=2, num_subcores=16),
        scratch_types=[
            pltpu.VMEM((CHUNK, D), jnp.float32),
            pltpu.VMEM((CHUNK, D), jnp.float32),
            pltpu.SemaphoreType.DMA,
            pltpu.SemaphoreType.DMA,
            pltpu.SemaphoreType.DMA,
            pltpu.SemaphoreType.DMA,
            pltpu.SemaphoreType.DMA,
            pltpu.SemaphoreType.DMA,
        ],
        compiler_params=pltpu.CompilerParams(use_tc_tiling_on_sc=True),
    )
    se, nb = fn(queue_embeddings)
    return se, nb



def _ids_body(p_ref, qlo_ref, qhi_ref, slo_ref, shi_ref,
              slo_out, shi_out, nlo_out, nhi_out):
    i = pl.program_id(0)
    p = p_ref[0]
    qlo = qlo_ref[...]
    qhi = qhi_ref[...]
    slo_out[...] = qlo
    shi_out[...] = qhi
    q = p // 128
    lam = p - q * 128
    rowg = lax.broadcasted_iota(jnp.int32, (IR, 128), 0) + i * IR
    lane = lax.broadcasted_iota(jnp.int32, (IR, 128), 1)
    g = rowg * 128 + lane
    j = g - p
    wrp = j < 0
    jm = jnp.where(wrp, j + C, j)
    mask_i = jm < B
    start_a = jnp.clip(PADR + i * IR - q - 1, 0, SROWS - (IR + 16))
    start_w = jnp.clip(PADR + i * IR - q + PR - 1, 0, SROWS - (IR + 16))
    hi_lane = lane >= lam

    def pick(src_ref):
        s_a = pltpu.roll(src_ref[pl.ds(start_a, IR + 16), :], lam, axis=1)
        s_w = pltpu.roll(src_ref[pl.ds(start_w, IR + 16), :], lam, axis=1)
        v_a = jnp.where(hi_lane, s_a[1:1 + IR], s_a[0:IR])
        v_w = jnp.where(hi_lane, s_w[1:1 + IR], s_w[0:IR])
        return jnp.where(wrp, v_w, v_a)

    nlo_out[...] = jnp.where(mask_i, pick(slo_ref), qlo)
    nhi_out[...] = jnp.where(mask_i, pick(shi_ref), qhi)


def _split_planes(x64, rows):
    u = lax.bitcast_convert_type(x64, jnp.uint64)
    lo = lax.convert_element_type(u & jnp.uint64(0xFFFFFFFF), jnp.uint32)
    hi = lax.convert_element_type(u >> jnp.uint64(32), jnp.uint32)
    lo = lax.bitcast_convert_type(lo, jnp.int32).reshape(rows, 128)
    hi = lax.bitcast_convert_type(hi, jnp.int32).reshape(rows, 128)
    return lo, hi


def _join_planes(lo2d, hi2d):
    lo = lax.bitcast_convert_type(lo2d.reshape(-1), jnp.uint32)
    hi = lax.bitcast_convert_type(hi2d.reshape(-1), jnp.uint32)
    u = (lax.convert_element_type(hi, jnp.uint64) << jnp.uint64(32)) | \
        lax.convert_element_type(lo, jnp.uint64)
    return lax.bitcast_convert_type(u, jnp.int64)


def _pad_rows(x2d, pad):
    z = jnp.zeros((pad, 128), jnp.int32)
    return jnp.concatenate([z, x2d, z])


def _tc_ids(p32, queue_item_ids, item_ids):
    qlo, qhi = _split_planes(queue_item_ids, PR)
    slo, shi = _split_planes(item_ids, SR)
    slo, shi = _pad_rows(slo, PADR), _pad_rows(shi, PADR)
    ids2d = jax.ShapeDtypeStruct((PR, 128), jnp.int32)
    s_lo, s_hi, n_lo, n_hi = pl.pallas_call(
        _ids_body,
        grid=(KI,),
        in_specs=[
            pl.BlockSpec((1,), lambda i: (jnp.int32(0),),
                         memory_space=pltpu.SMEM),
            pl.BlockSpec((IR, 128), _im_i0),
            pl.BlockSpec((IR, 128), _im_i0),
            pl.BlockSpec((SROWS, 128), _im_00),
            pl.BlockSpec((SROWS, 128), _im_00),
        ],
        out_specs=[
            pl.BlockSpec((IR, 128), _im_i0),
            pl.BlockSpec((IR, 128), _im_i0),
            pl.BlockSpec((IR, 128), _im_i0),
            pl.BlockSpec((IR, 128), _im_i0),
        ],
        out_shape=[ids2d, ids2d, ids2d, ids2d],
        compiler_params=pltpu.CompilerParams(dimension_semantics=("arbitrary",)),
    )(p32, qlo, qhi, slo, shi)
    return _join_planes(s_lo, s_hi), _join_planes(n_lo, n_hi)



def _fix_im(i, p_ref):
    bk = (p_ref[0] // S + lax.convert_element_type(i, jnp.int32)) % KF
    return (bk, jnp.int32(0))


def _fix_body(p_ref, nb_ref, epad_ref, out_ref):
    i = pl.program_id(0)
    p = p_ref[0]
    bk = (p // S + i) % KF
    d = bk * S - p
    s0 = jnp.where(d < 0, d + C, d)
    a1 = S + jnp.minimum(s0, B)
    a2 = jnp.maximum(S + s0 - C, 0)
    e1 = epad_ref[pl.ds(a1, S), :]
    e2 = epad_ref[pl.ds(a2, S), :]
    r = lax.broadcasted_iota(jnp.int32, (S, 1), 0)
    pos = s0 + r
    wrap = pos >= C
    posm = jnp.where(wrap, pos - C, pos)
    mask = posm < B
    val = jnp.where(wrap, e2, e1)
    out_ref[...] = jnp.where(mask, val, nb_ref[...])


def _tc_fix(p32, new_base, embeddings):
    epad = jnp.concatenate([
        jnp.zeros((S, D), jnp.float32),
        embeddings,
        jnp.zeros((S, D), jnp.float32)])
    grid_spec = pltpu.PrefetchScalarGridSpec(
        num_scalar_prefetch=1,
        grid=(NB,),
        in_specs=[
            pl.BlockSpec((S, D), _fix_im),
            pl.BlockSpec((B + 2 * S, D), lambda i, p_ref: (jnp.int32(0),
                                                           jnp.int32(0))),
        ],
        out_specs=[
            pl.BlockSpec((S, D), _fix_im),
        ],
    )
    (ne,) = pl.pallas_call(
        _fix_body,
        grid_spec=grid_spec,
        out_shape=[jax.ShapeDtypeStruct((C, D), jnp.float32)],
        input_output_aliases={1: 0},
        compiler_params=pltpu.CompilerParams(dimension_semantics=("arbitrary",)),
    )(p32, new_base, epad)
    return ne


def kernel(embeddings, item_ids, queue_embeddings, queue_item_ids, ptr):
    p32 = jnp.mod(ptr, C).astype(jnp.int32).reshape((1,))
    se, nb = _sc_copies(queue_embeddings)
    si, ni = _tc_ids(p32, queue_item_ids, item_ids)
    ne = _tc_fix(p32, nb, embeddings)
    return (se, si, ne, ni)

# --- scband reference (transcript-rebuilt; emitter-appended) ---
"""Pipeline reference for scband-cached-cross-batch-sampler-15857019257157 (READ-ONLY COPY).

The authoritative reference and input builder live on the scoring server;
editing this copy changes nothing except your own understanding.
"""

import jax, jax.numpy as jnp
import numpy as np
jax.config.update("jax_enable_x64", True)

CAPACITY = 65536
BATCH = 4096
EMBED_DIM = 64
VOCAB = 1000000


def setup_inputs(seed: int = 0) -> dict:
    key = jax.random.key(seed)
    k1, k2, k3, k4 = jax.random.split(key, 4)
    return {
        "embeddings": jax.random.normal(k1, (BATCH, EMBED_DIM), dtype=jnp.float32),
        "item_ids": jax.random.randint(k2, (BATCH,), 0, VOCAB, dtype=jnp.int64),
        "queue_embeddings": jax.random.normal(k3, (CAPACITY, EMBED_DIM), dtype=jnp.float32),
        "queue_item_ids": jax.random.randint(k4, (CAPACITY,), 0, VOCAB, dtype=jnp.int64),
        "ptr": 12345,
    }


def reference(embeddings, item_ids, queue_embeddings, queue_item_ids, ptr):
    # CachedCrossBatchSampler.call with ignore_last_batch_on_sample=True:
    #   1) sample(): list_all() returns the full FIFO cache (embeddings + metadata)
    #      BEFORE the current batch is added.
    #   2) add(): enqueue_many the current batch embeddings and metadata (item_id)
    #      into the fixed-capacity FIFO queue, modeled as a circular buffer with
    #      write pointer `ptr` (scatter-overwrite of the oldest entries).
    capacity = queue_embeddings.shape[0]
    b = embeddings.shape[0]

    # --- sample() before add ---
    sampled_embeddings = queue_embeddings
    sampled_item_ids = queue_item_ids

    # --- add(): FIFO enqueue_many as circular-buffer scatter-overwrite ---
    idx = (ptr + jnp.arange(b)) % capacity
    new_queue_embeddings = queue_embeddings.at[idx].set(embeddings)
    new_queue_item_ids = queue_item_ids.at[idx].set(item_ids)

    return (sampled_embeddings, sampled_item_ids, new_queue_embeddings, new_queue_item_ids)

if __name__ == "__main__":
    import jax
    _d = setup_inputs()
    print(jax.jit(kernel)(*tuple(_d.values())))

</pallas_src>

<mosaic_0001>
#map = affine_map<(d0, d1) -> (0, 0)>
module attributes {stable_mosaic.version = 14 : i64} {
  func.func @_sc_body(%arg0: i32, %arg1: i32, %arg2: memref<65536x64xf32, #tpu.memory_space<hbm>>, %arg3: memref<65536x64xf32, #tpu.memory_space<hbm>>, %arg4: memref<65536x64xf32, #tpu.memory_space<hbm>>, %arg5: memref<512x64xf32, #tpu.memory_space<vmem>>, %arg6: memref<512x64xf32, #tpu.memory_space<vmem>>, %arg7: memref<!tpu.dma_semaphore, #tpu.memory_space<semaphore_mem>>, %arg8: memref<!tpu.dma_semaphore, #tpu.memory_space<semaphore_mem>>, %arg9: memref<!tpu.dma_semaphore, #tpu.memory_space<semaphore_mem>>, %arg10: memref<!tpu.dma_semaphore, #tpu.memory_space<semaphore_mem>>, %arg11: memref<!tpu.dma_semaphore, #tpu.memory_space<semaphore_mem>>, %arg12: memref<!tpu.dma_semaphore, #tpu.memory_space<semaphore_mem>>) attributes {dimension_semantics = [#tpu.dimension_semantics<core_parallel>, #tpu.dimension_semantics<subcore_parallel>], iteration_bounds = array<i64: 2, 16>, scalar_prefetch = 0 : i64, scratch_operands = 8 : i64, tpu.core_type = #tpu.core_type<sc_vector_subcore>, window_params = [{transform_indices = #map}, {transform_indices = #map}, {transform_indices = #map}]} {
    %mul3A = arith.constant 2 : i32
    %mul3A_0 = arith.muli %arg1, %mul3A : i32
    %add3A = arith.addi %mul3A_0, %arg0 : i32
    %mul3A_1 = arith.constant 2048 : i32
    %mul3A_2 = arith.muli %add3A, %mul3A_1 : i32
    %add3A_3 = arith.constant 0 : i32
    %add3A_4 = arith.addi %mul3A_2, %add3A_3 : i32
    %dma_start3A = arith.constant 0 : i32
    %dma_start3A_5 = tpu.memref_slice %arg2[%add3A_4, %dma_start3A] : memref<65536x64xf32, #tpu.memory_space<hbm>> -> memref<512x64xf32, #tpu.memory_space<hbm>>
    %dma_start3A_6 = arith.constant 0 : i32
    %dma_start3A_7 = tpu.memref_slice %arg2[%add3A_4, %dma_start3A_6] : memref<65536x64xf32, #tpu.memory_space<hbm>> -> memref<512x64xf32, #tpu.memory_space<hbm>>
    tpu.enqueue_dma source(%dma_start3A_7 : memref<512x64xf32, #tpu.memory_space<hbm>>) target(%arg5 : memref<512x64xf32, #tpu.memory_space<vmem>>) target_semaphore(%arg7 : memref<!tpu.dma_semaphore, #tpu.memory_space<semaphore_mem>>)
    %dma_wait3A = arith.constant 0 : i32
    %dma_wait3A_8 = tpu.memref_slice %arg2[%add3A_4, %dma_wait3A] : memref<65536x64xf32, #tpu.memory_space<hbm>> -> memref<512x64xf32, #tpu.memory_space<hbm>>
    %dma_wait3A_9 = arith.constant 0 : i32
    %dma_wait3A_10 = tpu.memref_slice %arg2[%add3A_4, %dma_wait3A_9] : memref<65536x64xf32, #tpu.memory_space<hbm>> -> memref<512x64xf32, #tpu.memory_space<hbm>>
    tpu.wait_dma2 semaphore(%arg7 : memref<!tpu.dma_semaphore, #tpu.memory_space<semaphore_mem>>) src(%dma_wait3A_10 : memref<512x64xf32, #tpu.memory_space<hbm>>) dst(%arg5 : memref<512x64xf32, #tpu.memory_space<vmem>>)
    %dma_start3A_11 = arith.constant 0 : i32
    %dma_start3A_12 = tpu.memref_slice %arg3[%add3A_4, %dma_start3A_11] : memref<65536x64xf32, #tpu.memory_space<hbm>> -> memref<512x64xf32, #tpu.memory_space<hbm>>
    %dma_start3A_13 = arith.constant 0 : i32
    %dma_start3A_14 = tpu.memref_slice %arg3[%add3A_4, %dma_start3A_13] : memref<65536x64xf32, #tpu.memory_space<hbm>> -> memref<512x64xf32, #tpu.memory_space<hbm>>
    tpu.enqueue_dma source(%arg5 : memref<512x64xf32, #tpu.memory_space<vmem>>) target(%dma_start3A_14 : memref<512x64xf32, #tpu.memory_space<hbm>>) target_semaphore(%arg9 : memref<!tpu.dma_semaphore, #tpu.memory_space<semaphore_mem>>)
    %dma_start3A_15 = arith.constant 0 : i32
    %dma_start3A_16 = tpu.memref_slice %arg4[%add3A_4, %dma_start3A_15] : memref<65536x64xf32, #tpu.memory_space<hbm>> -> memref<512x64xf32, #tpu.memory_space<hbm>>
    %dma_start3A_17 = arith.constant 0 : i32
    %dma_start3A_18 = tpu.memref_slice %arg4[%add3A_4, %dma_start3A_17] : memref<65536x64xf32, #tpu.memory_space<hbm>> -> memref<512x64xf32, #tpu.memory_space<hbm>>
    tpu.enqueue_dma source(%arg5 : memref<512x64xf32, #tpu.memory_space<vmem>>) target(%dma_start3A_18 : memref<512x64xf32, #tpu.memory_space<hbm>>) target_semaphore(%arg11 : memref<!tpu.dma_semaphore, #tpu.memory_space<semaphore_mem>>)
    %add3A_19 = arith.constant 512 : i32
    %add3A_20 = arith.addi %mul3A_2, %add3A_19 : i32
    %dma_start3A_21 = arith.constant 0 : i32
    %dma_start3A_22 = tpu.memref_slice %arg2[%add3A_20, %dma_start3A_21] : memref<65536x64xf32, #tpu.memory_space<hbm>> -> memref<512x64xf32, #tpu.memory_space<hbm>>
    %dma_start3A_23 = arith.constant 0 : i32
    %dma_start3A_24 = tpu.memref_slice %arg2[%add3A_20, %dma_start3A_23] : memref<65536x64xf32, #tpu.memory_space<hbm>> -> memref<512x64xf32, #tpu.memory_space<hbm>>
    tpu.enqueue_dma source(%dma_start3A_24 : memref<512x64xf32, #tpu.memory_space<hbm>>) target(%arg6 : memref<512x64xf32, #tpu.memory_space<vmem>>) target_semaphore(%arg8 : memref<!tpu.dma_semaphore, #tpu.memory_space<semaphore_mem>>)
    %dma_wait3A_25 = arith.constant 0 : i32
    %dma_wait3A_26 = tpu.memref_slice %arg2[%add3A_20, %dma_wait3A_25] : memref<65536x64xf32, #tpu.memory_space<hbm>> -> memref<512x64xf32, #tpu.memory_space<hbm>>
    %dma_wait3A_27 = arith.constant 0 : i32
    %dma_wait3A_28 = tpu.memref_slice %arg2[%add3A_20, %dma_wait3A_27] : memref<65536x64xf32, #tpu.memory_space<hbm>> -> memref<512x64xf32, #tpu.memory_space<hbm>>
    tpu.wait_dma2 semaphore(%arg8 : memref<!tpu.dma_semaphore, #tpu.memory_space<semaphore_mem>>) src(%dma_wait3A_28 : memref<512x64xf32, #tpu.memory_space<hbm>>) dst(%arg6 : memref<512x64xf32, #tpu.memory_space<vmem>>)
    %dma_start3A_29 = arith.constant 0 : i32
    %dma_start3A_30 = tpu.memref_slice %arg3[%add3A_20, %dma_start3A_29] : memref<65536x64xf32, #tpu.memory_space<hbm>> -> memref<512x64xf32, #tpu.memory_space<hbm>>
    %dma_start3A_31 = arith.constant 0 : i32
    %dma_start3A_32 = tpu.memref_slice %arg3[%add3A_20, %dma_start3A_31] : memref<65536x64xf32, #tpu.memory_space<hbm>> -> memref<512x64xf32, #tpu.memory_space<hbm>>
    tpu.enqueue_dma source(%arg6 : memref<512x64xf32, #tpu.memory_space<vmem>>) target(%dma_start3A_32 : memref<512x64xf32, #tpu.memory_space<hbm>>) target_semaphore(%arg10 : memref<!tpu.dma_semaphore, #tpu.memory_space<semaphore_mem>>)
    %dma_start3A_33 = arith.constant 0 : i32
    %dma_start3A_34 = tpu.memref_slice %arg4[%add3A_20, %dma_start3A_33] : memref<65536x64xf32, #tpu.memory_space<hbm>> -> memref<512x64xf32, #tpu.memory_space<hbm>>
    %dma_start3A_35 = arith.constant 0 : i32
    %dma_start3A_36 = tpu.memref_slice %arg4[%add3A_20, %dma_start3A_35] : memref<65536x64xf32, #tpu.memory_space<hbm>> -> memref<512x64xf32, #tpu.memory_space<hbm>>
    tpu.enqueue_dma source(%arg6 : memref<512x64xf32, #tpu.memory_space<vmem>>) target(%dma_start3A_36 : memref<512x64xf32, #tpu.memory_space<hbm>>) target_semaphore(%arg12 : memref<!tpu.dma_semaphore, #tpu.memory_space<semaphore_mem>>)
    %dma_wait3A_37 = arith.constant 0 : i32
    %dma_wait3A_38 = tpu.memref_slice %arg3[%add3A_4, %dma_wait3A_37] : memref<65536x64xf32, #tpu.memory_space<hbm>> -> memref<512x64xf32, #tpu.memory_space<hbm>>
    %dma_wait3A_39 = arith.constant 0 : i32
    %dma_wait3A_40 = tpu.memref_slice %arg3[%add3A_4, %dma_wait3A_39] : memref<65536x64xf32, #tpu.memory_space<hbm>> -> memref<512x64xf32, #tpu.memory_space<hbm>>
    tpu.wait_dma2 semaphore(%arg9 : memref<!tpu.dma_semaphore, #tpu.memory_space<semaphore_mem>>) src(%arg5 : memref<512x64xf32, #tpu.memory_space<vmem>>) dst(%dma_wait3A_40 : memref<512x64xf32, #tpu.memory_space<hbm>>)
    %dma_wait3A_41 = arith.constant 0 : i32
    %dma_wait3A_42 = tpu.memref_slice %arg4[%add3A_4, %dma_wait3A_41] : memref<65536x64xf32, #tpu.memory_space<hbm>> -> memref<512x64xf32, #tpu.memory_space<hbm>>
    %dma_wait3A_43 = arith.constant 0 : i32
    %dma_wait3A_44 = tpu.memref_slice %arg4[%add3A_4, %dma_wait3A_43] : memref<65536x64xf32, #tpu.memory_space<hbm>> -> memref<512x64xf32, #tpu.memory_space<hbm>>
    tpu.wait_dma2 semaphore(%arg11 : memref<!tpu.dma_semaphore, #tpu.memory_space<semaphore_mem>>) src(%arg5 : memref<512x64xf32, #tpu.memory_space<vmem>>) dst(%dma_wait3A_44 : memref<512x64xf32, #tpu.memory_space<hbm>>)
    %add3A_45 = arith.constant 1024 : i32
    %add3A_46 = arith.addi %mul3A_2, %add3A_45 : i32
    %dma_start3A_47 = arith.constant 0 : i32
    %dma_start3A_48 = tpu.memref_slice %arg2[%add3A_46, %dma_start3A_47] : memref<65536x64xf32, #tpu.memory_space<hbm>> -> memref<512x64xf32, #tpu.memory_space<hbm>>
    %dma_start3A_49 = arith.constant 0 : i32
    %dma_start3A_50 = tpu.memref_slice %arg2[%add3A_46, %dma_start3A_49] : memref<65536x64xf32, #tpu.memory_space<hbm>> -> memref<512x64xf32, #tpu.memory_space<hbm>>
    tpu.enqueue_dma source(%dma_start3A_50 : memref<512x64xf32, #tpu.memory_space<hbm>>) target(%arg5 : memref<512x64xf32, #tpu.memory_space<vmem>>) target_semaphore(%arg7 : memref<!tpu.dma_semaphore, #tpu.memory_space<semaphore_mem>>)
    %dma_wait3A_51 = arith.constant 0 : i32
    %dma_wait3A_52 = tpu.memref_slice %arg2[%add3A_46, %dma_wait3A_51] : memref<65536x64xf32, #tpu.memory_space<hbm>> -> memref<512x64xf32, #tpu.memory_space<hbm>>
    %dma_wait3A_53 = arith.constant 0 : i32
    %dma_wait3A_54 = tpu.memref_slice %arg2[%add3A_46, %dma_wait3A_53] : memref<65536x64xf32, #tpu.memory_space<hbm>> -> memref<512x64xf32, #tpu.memory_space<hbm>>
    tpu.wait_dma2 semaphore(%arg7 : memref<!tpu.dma_semaphore, #tpu.memory_space<semaphore_mem>>) src(%dma_wait3A_54 : memref<512x64xf32, #tpu.memory_space<hbm>>) dst(%arg5 : memref<512x64xf32, #tpu.memory_space<vmem>>)
    %dma_start3A_55 = arith.constant 0 : i32
    %dma_start3A_56 = tpu.memref_slice %arg3[%add3A_46, %dma_start3A_55] : memref<65536x64xf32, #tpu.memory_space<hbm>> -> memref<512x64xf32, #tpu.memory_space<hbm>>
    %dma_start3A_57 = arith.constant 0 : i32
    %dma_start3A_58 = tpu.memref_slice %arg3[%add3A_46, %dma_start3A_57] : memref<65536x64xf32, #tpu.memory_space<hbm>> -> memref<512x64xf32, #tpu.memory_space<hbm>>
    tpu.enqueue_dma source(%arg5 : memref<512x64xf32, #tpu.memory_space<vmem>>) target(%dma_start3A_58 : memref<512x64xf32, #tpu.memory_space<hbm>>) target_semaphore(%arg9 : memref<!tpu.dma_semaphore, #tpu.memory_space<semaphore_mem>>)
    %dma_start3A_59 = arith.constant 0 : i32
    %dma_start3A_60 = tpu.memref_slice %arg4[%add3A_46, %dma_start3A_59] : memref<65536x64xf32, #tpu.memory_space<hbm>> -> memref<512x64xf32, #tpu.memory_space<hbm>>
    %dma_start3A_61 = arith.constant 0 : i32
    %dma_start3A_62 = tpu.memref_slice %arg4[%add3A_46, %dma_start3A_61] : memref<65536x64xf32, #tpu.memory_space<hbm>> -> memref<512x64xf32, #tpu.memory_space<hbm>>
    tpu.enqueue_dma source(%arg5 : memref<512x64xf32, #tpu.memory_space<vmem>>) target(%dma_start3A_62 : memref<512x64xf32, #tpu.memory_space<hbm>>) target_semaphore(%arg11 : memref<!tpu.dma_semaphore, #tpu.memory_space<semaphore_mem>>)
    %dma_wait3A_63 = arith.constant 0 : i32
    %dma_wait3A_64 = tpu.memref_slice %arg3[%add3A_20, %dma_wait3A_63] : memref<65536x64xf32, #tpu.memory_space<hbm>> -> memref<512x64xf32, #tpu.memory_space<hbm>>
    %dma_wait3A_65 = arith.constant 0 : i32
    %dma_wait3A_66 = tpu.memref_slice %arg3[%add3A_20, %dma_wait3A_65] : memref<65536x64xf32, #tpu.memory_space<hbm>> -> memref<512x64xf32, #tpu.memory_space<hbm>>
    tpu.wait_dma2 semaphore(%arg10 : memref<!tpu.dma_semaphore, #tpu.memory_space<semaphore_mem>>) src(%arg6 : memref<512x64xf32, #tpu.memory_space<vmem>>) dst(%dma_wait3A_66 : memref<512x64xf32, #tpu.memory_space<hbm>>)
    %dma_wait3A_67 = arith.constant 0 : i32
    %dma_wait3A_68 = tpu.memref_slice %arg4[%add3A_20, %dma_wait3A_67] : memref<65536x64xf32, #tpu.memory_space<hbm>> -> memref<512x64xf32, #tpu.memory_space<hbm>>
    %dma_wait3A_69 = arith.constant 0 : i32
    %dma_wait3A_70 = tpu.memref_slice %arg4[%add3A_20, %dma_wait3A_69] : memref<65536x64xf32, #tpu.memory_space<hbm>> -> memref<512x64xf32, #tpu.memory_space<hbm>>
    tpu.wait_dma2 semaphore(%arg12 : memref<!tpu.dma_semaphore, #tpu.memory_space<semaphore_mem>>) src(%arg6 : memref<512x64xf32, #tpu.memory_space<vmem>>) dst(%dma_wait3A_70 : memref<512x64xf32, #tpu.memory_space<hbm>>)
    %add3A_71 = arith.constant 1536 : i32
    %add3A_72 = arith.addi %mul3A_2, %add3A_71 : i32
    %dma_start3A_73 = arith.constant 0 : i32
    %dma_start3A_74 = tpu.memref_slice %arg2[%add3A_72, %dma_start3A_73] : memref<65536x64xf32, #tpu.memory_space<hbm>> -> memref<512x64xf32, #tpu.memory_space<hbm>>
    %dma_start3A_75 = arith.constant 0 : i32
    %dma_start3A_76 = tpu.memref_slice %arg2[%add3A_72, %dma_start3A_75] : memref<65536x64xf32, #tpu.memory_space<hbm>> -> memref<512x64xf32, #tpu.memory_space<hbm>>
    tpu.enqueue_dma source(%dma_start3A_76 : memref<512x64xf32, #tpu.memory_space<hbm>>) target(%arg6 : memref<512x64xf32, #tpu.memory_space<vmem>>) target_semaphore(%arg8 : memref<!tpu.dma_semaphore, #tpu.memory_space<semaphore_mem>>)
    %dma_wait3A_77 = arith.constant 0 : i32
    %dma_wait3A_78 = tpu.memref_slice %arg2[%add3A_72, %dma_wait3A_77] : memref<65536x64xf32, #tpu.memory_space<hbm>> -> memref<512x64xf32, #tpu.memory_space<hbm>>
    %dma_wait3A_79 = arith.constant 0 : i32
    %dma_wait3A_80 = tpu.memref_slice %arg2[%add3A_72, %dma_wait3A_79] : memref<65536x64xf32, #tpu.memory_space<hbm>> -> memref<512x64xf32, #tpu.memory_space<hbm>>
    tpu.wait_dma2 semaphore(%arg8 : memref<!tpu.dma_semaphore, #tpu.memory_space<semaphore_mem>>) src(%dma_wait3A_80 : memref<512x64xf32, #tpu.memory_space<hbm>>) dst(%arg6 : memref<512x64xf32, #tpu.memory_space<vmem>>)
    %dma_start3A_81 = arith.constant 0 : i32
    %dma_start3A_82 = tpu.memref_slice %arg3[%add3A_72, %dma_start3A_81] : memref<65536x64xf32, #tpu.memory_space<hbm>> -> memref<512x64xf32, #tpu.memory_space<hbm>>
    %dma_start3A_83 = arith.constant 0 : i32
    %dma_start3A_84 = tpu.memref_slice %arg3[%add3A_72, %dma_start3A_83] : memref<65536x64xf32, #tpu.memory_space<hbm>> -> memref<512x64xf32, #tpu.memory_space<hbm>>
    tpu.enqueue_dma source(%arg6 : memref<512x64xf32, #tpu.memory_space<vmem>>) target(%dma_start3A_84 : memref<512x64xf32, #tpu.memory_space<hbm>>) target_semaphore(%arg10 : memref<!tpu.dma_semaphore, #tpu.memory_space<semaphore_mem>>)
    %dma_start3A_85 = arith.constant 0 : i32
    %dma_start3A_86 = tpu.memref_slice %arg4[%add3A_72, %dma_start3A_85] : memref<65536x64xf32, #tpu.memory_space<hbm>> -> memref<512x64xf32, #tpu.memory_space<hbm>>
    %dma_start3A_87 = arith.constant 0 : i32
    %dma_start3A_88 = tpu.memref_slice %arg4[%add3A_72, %dma_start3A_87] : memref<65536x64xf32, #tpu.memory_space<hbm>> -> memref<512x64xf32, #tpu.memory_space<hbm>>
    tpu.enqueue_dma source(%arg6 : memref<512x64xf32, #tpu.memory_space<vmem>>) target(%dma_start3A_88 : memref<512x64xf32, #tpu.memory_space<hbm>>) target_semaphore(%arg12 : memref<!tpu.dma_semaphore, #tpu.memory_space<semaphore_mem>>)
    %dma_wait3A_89 = arith.constant 0 : i32
    %dma_wait3A_90 = tpu.memref_slice %arg3[%add3A_46, %dma_wait3A_89] : memref<65536x64xf32, #tpu.memory_space<hbm>> -> memref<512x64xf32, #tpu.memory_space<hbm>>
    %dma_wait3A_91 = arith.constant 0 : i32
    %dma_wait3A_92 = tpu.memref_slice %arg3[%add3A_46, %dma_wait3A_91] : memref<65536x64xf32, #tpu.memory_space<hbm>> -> memref<512x64xf32, #tpu.memory_space<hbm>>
    tpu.wait_dma2 semaphore(%arg9 : memref<!tpu.dma_semaphore, #tpu.memory_space<semaphore_mem>>) src(%arg5 : memref<512x64xf32, #tpu.memory_space<vmem>>) dst(%dma_wait3A_92 : memref<512x64xf32, #tpu.memory_space<hbm>>)
    %dma_wait3A_93 = arith.constant 0 : i32
    %dma_wait3A_94 = tpu.memref_slice %arg4[%add3A_46, %dma_wait3A_93] : memref<65536x64xf32, #tpu.memory_space<hbm>> -> memref<512x64xf32, #tpu.memory_space<hbm>>
    %dma_wait3A_95 = arith.constant 0 : i32
    %dma_wait3A_96 = tpu.memref_slice %arg4[%add3A_46, %dma_wait3A_95] : memref<65536x64xf32, #tpu.memory_space<hbm>> -> memref<512x64xf32, #tpu.memory_space<hbm>>
    tpu.wait_dma2 semaphore(%arg11 : memref<!tpu.dma_semaphore, #tpu.memory_space<semaphore_mem>>) src(%arg5 : memref<512x64xf32, #tpu.memory_space<vmem>>) dst(%dma_wait3A_96 : memref<512x64xf32, #tpu.memory_space<hbm>>)
    %dma_wait3A_97 = arith.constant 0 : i32
    %dma_wait3A_98 = tpu.memref_slice %arg3[%add3A_72, %dma_wait3A_97] : memref<65536x64xf32, #tpu.memory_space<hbm>> -> memref<512x64xf32, #tpu.memory_space<hbm>>
    %dma_wait3A_99 = arith.constant 0 : i32
    %dma_wait3A_100 = tpu.memref_slice %arg3[%add3A_72, %dma_wait3A_99] : memref<65536x64xf32, #tpu.memory_space<hbm>> -> memref<512x64xf32, #tpu.memory_space<hbm>>
    tpu.wait_dma2 semaphore(%arg10 : memref<!tpu.dma_semaphore, #tpu.memory_space<semaphore_mem>>) src(%arg6 : memref<512x64xf32, #tpu.memory_space<vmem>>) dst(%dma_wait3A_100 : memref<512x64xf32, #tpu.memory_space<hbm>>)
    %dma_wait3A_101 = arith.constant 0 : i32
    %dma_wait3A_102 = tpu.memref_slice %arg4[%add3A_72, %dma_wait3A_101] : memref<65536x64xf32, #tpu.memory_space<hbm>> -> memref<512x64xf32, #tpu.memory_space<hbm>>
    %dma_wait3A_103 = arith.constant 0 : i32
    %dma_wait3A_104 = tpu.memref_slice %arg4[%add3A_72, %dma_wait3A_103] : memref<65536x64xf32, #tpu.memory_space<hbm>> -> memref<512x64xf32, #tpu.memory_space<hbm>>
    tpu.wait_dma2 semaphore(%arg12 : memref<!tpu.dma_semaphore, #tpu.memory_space<semaphore_mem>>) src(%arg6 : memref<512x64xf32, #tpu.memory_space<vmem>>) dst(%dma_wait3A_104 : memref<512x64xf32, #tpu.memory_space<hbm>>)
    return
  }
}

module attributes {stable_mosaic.version = 14 : i64} {
  func.func @_ids_body(%arg0: i32, %arg1: memref<1xi32, #tpu.memory_space<smem>>, %arg2: memref<32x128xi32, #tpu.memory_space<vmem>>, %arg3: memref<32x128xi32, #tpu.memory_space<vmem>>, %arg4: memref<128x128xi32, #tpu.memory_space<vmem>>, %arg5: memref<128x128xi32, #tpu.memory_space<vmem>>, %arg6: memref<32x128xi32, #tpu.memory_space<vmem>>, %arg7: memref<32x128xi32, #tpu.memory_space<vmem>>, %arg8: memref<32x128xi32, #tpu.memory_space<vmem>>, %arg9: memref<32x128xi32, #tpu.memory_space<vmem>>) attributes {dimension_semantics = [#tpu.dimension_semantics<arbitrary>], iteration_bounds = array<i64: 16>, scalar_prefetch = 0 : i64, scratch_operands = 0 : i64, tpu.core_type = #tpu.core_type<tc>, window_params = [{transform_indices = @transform_0, window_bounds = array<i64: 1>}, {transform_indices = @transform_1, window_bounds = array<i64: 32, 128>}, {transform_indices = @transform_2, window_bounds = array<i64: 32, 128>}, {pipeline_mode = #tpu.pipeline_mode<synchronous>, transform_indices = @transform_3, window_bounds = array<i64: 128, 128>}, {pipeline_mode = #tpu.pipeline_mode<synchronous>, transform_indices = @transform_4, window_bounds = array<i64: 128, 128>}, {transform_indices = @transform_5, window_bounds = array<i64: 32, 128>}, {transform_indices = @transform_6, window_bounds = array<i64: 32, 128>}, {transform_indices = @transform_7, window_bounds = array<i64: 32, 128>}, {transform_indices = @transform_8, window_bounds = array<i64: 32, 128>}]} {
    %get3A = arith.constant 0 : index
    %get3A_0 = memref.load %arg1[%get3A] : memref<1xi32, #tpu.memory_space<smem>>
    %get3A_1 = arith.constant 0 : index
    %get3A_2 = arith.constant 0 : index
    %get3A_3 = vector.load %arg2[%get3A_1, %get3A_2] : memref<32x128xi32, #tpu.memory_space<vmem>>, vector<32x128xi32>
    %get3A_4 = arith.constant 0 : index
    %get3A_5 = arith.constant 0 : index
    %get3A_6 = vector.load %arg3[%get3A_4, %get3A_5] : memref<32x128xi32, #tpu.memory_space<vmem>>, vector<32x128xi32>
    %swap3A = arith.constant 0 : index
    %swap3A_7 = arith.constant 0 : index
    %swap3A_8 = vector.load %arg6[%swap3A, %swap3A_7] : memref<32x128xi32, #tpu.memory_space<vmem>>, vector<32x128xi32>
    tpu.vector_store %arg6[%swap3A, %swap3A_7], %get3A_3 {strides = array<i32>} : memref<32x128xi32, #tpu.memory_space<vmem>>, vector<32x128xi32>,
    %swap3A_9 = arith.constant 0 : index
    %swap3A_10 = arith.constant 0 : index
    %swap3A_11 = vector.load %arg7[%swap3A_9, %swap3A_10] : memref<32x128xi32, #tpu.memory_space<vmem>>, vector<32x128xi32>
    tpu.vector_store %arg7[%swap3A_9, %swap3A_10], %get3A_6 {strides = array<i32>} : memref<32x128xi32, #tpu.memory_space<vmem>>, vector<32x128xi32>,
    %jit3A = arith.constant 128 : i64
    %convert_element_type3A = arith.trunci %jit3A : i64 to i32
    %div3A = arith.divsi %get3A_0, %convert_element_type3A : i32
    %sign3A = arith.constant 0 : i32
    %sign3A_12 = arith.cmpi sgt, %get3A_0, %sign3A : i32
    %sign3A_13 = arith.extui %sign3A_12 : i1 to i32
    %sign3A_14 = arith.constant 0 : i32
    %sign3A_15 = arith.cmpi slt, %get3A_0, %sign3A_14 : i32
    %sign3A_16 = arith.extui %sign3A_15 : i1 to i32
    %sign3A_17 = arith.subi %sign3A_13, %sign3A_16 : i32
    %sign3A_18 = arith.constant 0 : i32
    %sign3A_19 = arith.cmpi sgt, %convert_element_type3A, %sign3A_18 : i32
    %sign3A_20 = arith.extui %sign3A_19 : i1 to i32
    %sign3A_21 = arith.constant 0 : i32
    %sign3A_22 = arith.cmpi slt, %convert_element_type3A, %sign3A_21 : i32
    %sign3A_23 = arith.extui %sign3A_22 : i1 to i32
    %sign3A_24 = arith.subi %sign3A_20, %sign3A_23 : i32
    %ne3A = arith.cmpi ne, %sign3A_17, %sign3A_24 : i32
    %rem3A = arith.remsi %get3A_0, %convert_element_type3A : i32
    %ne3A_25 = arith.constant 0 : i32
    %ne3A_26 = arith.cmpi ne, %rem3A, %ne3A_25 : i32
    %and3A = arith.andi %ne3A, %ne3A_26 : i1
    %sub3A = arith.constant 1 : i32
    %sub3A_27 = arith.subi %div3A, %sub3A : i32
    %select_n3A = arith.select %and3A, %sub3A_27, %div3A : i32
    %mul3A = arith.constant 128 : i32
    %mul3A_28 = arith.muli %select_n3A, %mul3A : i32
    %sub3A_29 = arith.subi %get3A_0, %mul3A_28 : i32
    %iota3A = tpu.iota {dimensions = array<i32: 0>} : vector<32x128xi32>
    %mul3A_30 = arith.constant 32 : i32
    %mul3A_31 = arith.muli %arg0, %mul3A_30 : i32
    %add3A = vector.broadcast %mul3A_31 : i32 to vector<32x128xi32>
    %add3A_32 = arith.addi %iota3A, %add3A : vector<32x128xi32>
    %iota3A_33 = tpu.iota {dimensions = array<i32: 1>} : vector<32x128xi32>
    %mul3A_34 = arith.constant 128 : i32
    %mul3A_35 = vector.broadcast %mul3A_34 : i32 to vector<32x128xi32>
    %mul3A_36 = arith.muli %add3A_32, %mul3A_35 : vector<32x128xi32>
    %add3A_37 = arith.addi %mul3A_36, %iota3A_33 : vector<32x128xi32>
    %sub3A_38 = vector.broadcast %get3A_0 : i32 to vector<32x128xi32>
    %sub3A_39 = arith.subi %add3A_37, %sub3A_38 : vector<32x128xi32>
    %lt3A = arith.constant 0 : i32
    %lt3A_40 = vector.broadcast %lt3A : i32 to vector<32x128xi32>
    %lt3A_41 = arith.cmpi slt, %sub3A_39, %lt3A_40 : vector<32x128xi32>
    %add3A_42 = arith.constant 65536 : i32
    %add3A_43 = vector.broadcast %add3A_42 : i32 to vector<32x128xi32>
    %add3A_44 = arith.addi %sub3A_39, %add3A_43 : vector<32x128xi32>
    %select_n3A_45 = arith.select %lt3A_41, %add3A_44, %sub3A_39 : vector<32x128xi1>, vector<32x128xi32>
    %lt3A_46 = arith.constant 4096 : i32
    %lt3A_47 = vector.broadcast %lt3A_46 : i32 to vector<32x128xi32>
    %lt3A_48 = arith.cmpi slt, %select_n3A_45, %lt3A_47 : vector<32x128xi32>
    %mul3A_49 = arith.constant 32 : i32
    %mul3A_50 = arith.muli %arg0, %mul3A_49 : i32
    %add3A_51 = arith.constant 48 : i32
    %add3A_52 = arith.addi %add3A_51, %mul3A_50 : i32
    %sub3A_53 = arith.subi %add3A_52, %select_n3A : i32
    %sub3A_54 = arith.constant 1 : i32
    %sub3A_55 = arith.subi %sub3A_53, %sub3A_54 : i32
    %jit3A_56 = arith.constant 0 : i64
    %jit3A_57 = arith.constant 80 : i64
    %convert_element_type3A_58 = arith.trunci %jit3A_56 : i64 to i32
    %max3A = arith.maxsi %convert_element_type3A_58, %sub3A_55 : i32
    %convert_element_type3A_59 = arith.trunci %jit3A_57 : i64 to i32
    %min3A = arith.minsi %convert_element_type3A_59, %max3A : i32
    %mul3A_60 = arith.constant 32 : i32
    %mul3A_61 = arith.muli %arg0, %mul3A_60 : i32
    %add3A_62 = arith.constant 48 : i32
    %add3A_63 = arith.addi %add3A_62, %mul3A_61 : i32
    %sub3A_64 = arith.subi %add3A_63, %select_n3A : i32
    %add3A_65 = arith.constant 512 : i32
    %add3A_66 = arith.addi %sub3A_64, %add3A_65 : i32
    %sub3A_67 = arith.constant 1 : i32
    %sub3A_68 = arith.subi %add3A_66, %sub3A_67 : i32
    %jit3A_69 = arith.constant 0 : i64
    %jit3A_70 = arith.constant 80 : i64
    %convert_element_type3A_71 = arith.trunci %jit3A_69 : i64 to i32
    %max3A_72 = arith.maxsi %convert_element_type3A_71, %sub3A_68 : i32
    %convert_element_type3A_73 = arith.trunci %jit3A_70 : i64 to i32
    %min3A_74 = arith.minsi %convert_element_type3A_73, %max3A_72 : i32
    %ge3A = vector.broadcast %sub3A_29 : i32 to vector<32x128xi32>
    %ge3A_75 = arith.cmpi sge, %iota3A_33, %ge3A : vector<32x128xi32>
    %get3A_76 = arith.index_cast %min3A : i32 to index
    %get3A_77 = arith.constant 0 : index
    %get3A_78 = vector.load %arg4[%get3A_76, %get3A_77] : memref<128x128xi32, #tpu.memory_space<vmem>>, vector<48x128xi32>
    %roll3A = tpu.dynamic_rotate %get3A_78 by %sub3A_29 dim 1 : vector<48x128xi32>, i32 -> vector<48x128xi32>
    %get3A_79 = arith.index_cast %min3A_74 : i32 to index
    %get3A_80 = arith.constant 0 : index
    %get3A_81 = vector.load %arg4[%get3A_79, %get3A_80] : memref<128x128xi32, #tpu.memory_space<vmem>>, vector<48x128xi32>
    %roll3A_82 = tpu.dynamic_rotate %get3A_81 by %sub3A_29 dim 1 : vector<48x128xi32>, i32 -> vector<48x128xi32>
    %slice3A = vector.extract_strided_slice %roll3A {offsets = [1, 0], sizes = [32, 128], strides = [1, 1]} : vector<48x128xi32> to vector<32x128xi32>
    %slice3A_83 = vector.extract_strided_slice %roll3A {offsets = [0, 0], sizes = [32, 128], strides = [1, 1]} : vector<48x128xi32> to vector<32x128xi32>
    %select_n3A_84 = arith.select %ge3A_75, %slice3A, %slice3A_83 : vector<32x128xi1>, vector<32x128xi32>
    %slice3A_85 = vector.extract_strided_slice %roll3A_82 {offsets = [1, 0], sizes = [32, 128], strides = [1, 1]} : vector<48x128xi32> to vector<32x128xi32>
    %slice3A_86 = vector.extract_strided_slice %roll3A_82 {offsets = [0, 0], sizes = [32, 128], strides = [1, 1]} : vector<48x128xi32> to vector<32x128xi32>
    %select_n3A_87 = arith.select %ge3A_75, %slice3A_85, %slice3A_86 : vector<32x128xi1>, vector<32x128xi32>
    %select_n3A_88 = arith.select %lt3A_41, %select_n3A_87, %select_n3A_84 : vector<32x128xi1>, vector<32x128xi32>
    %select_n3A_89 = arith.select %lt3A_48, %select_n3A_88, %get3A_3 : vector<32x128xi1>, vector<32x128xi32>
    %swap3A_90 = arith.constant 0 : index
    %swap3A_91 = arith.constant 0 : index
    %swap3A_92 = vector.load %arg8[%swap3A_90, %swap3A_91] : memref<32x128xi32, #tpu.memory_space<vmem>>, vector<32x128xi32>
    tpu.vector_store %arg8[%swap3A_90, %swap3A_91], %select_n3A_89 {strides = array<i32>} : memref<32x128xi32, #tpu.memory_space<vmem>>, vector<32x128xi32>,
    %get3A_93 = arith.index_cast %min3A : i32 to index
    %get3A_94 = arith.constant 0 : index
    %get3A_95 = vector.load %arg5[%get3A_93, %get3A_94] : memref<128x128xi32, #tpu.memory_space<vmem>>, vector<48x128xi32>
    %roll3A_96 = tpu.dynamic_rotate %get3A_95 by %sub3A_29 dim 1 : vector<48x128xi32>, i32 -> vector<48x128xi32>
    %get3A_97 = arith.index_cast %min3A_74 : i32 to index
    %get3A_98 = arith.constant 0 : index
    %get3A_99 = vector.load %arg5[%get3A_97, %get3A_98] : memref<128x128xi32, #tpu.memory_space<vmem>>, vector<48x128xi32>
    %roll3A_100 = tpu.dynamic_rotate %get3A_99 by %sub3A_29 dim 1 : vector<48x128xi32>, i32 -> vector<48x128xi32>
    %slice3A_101 = vector.extract_strided_slice %roll3A_96 {offsets = [1, 0], sizes = [32, 128], strides = [1, 1]} : vector<48x128xi32> to vector<32x128xi32>
    %slice3A_102 = vector.extract_strided_slice %roll3A_96 {offsets = [0, 0], sizes = [32, 128], strides = [1, 1]} : vector<48x128xi32> to vector<32x128xi32>
    %select_n3A_103 = arith.select %ge3A_75, %slice3A_101, %slice3A_102 : vector<32x128xi1>, vector<32x128xi32>
    %slice3A_104 = vector.extract_strided_slice %roll3A_100 {offsets = [1, 0], sizes = [32, 128], strides = [1, 1]} : vector<48x128xi32> to vector<32x128xi32>
    %slice3A_105 = vector.extract_strided_slice %roll3A_100 {offsets = [0, 0], sizes = [32, 128], strides = [1, 1]} : vector<48x128xi32> to vector<32x128xi32>
    %select_n3A_106 = arith.select %ge3A_75, %slice3A_104, %slice3A_105 : vector<32x128xi1>, vector<32x128xi32>
    %select_n3A_107 = arith.select %lt3A_41, %select_n3A_106, %select_n3A_103 : vector<32x128xi1>, vector<32x128xi32>
    %select_n3A_108 = arith.select %lt3A_48, %select_n3A_107, %get3A_6 : vector<32x128xi1>, vector<32x128xi32>
    %swap3A_109 = arith.constant 0 : index
    %swap3A_110 = arith.constant 0 : index
    %swap3A_111 = vector.load %arg9[%swap3A_109, %swap3A_110] : memref<32x128xi32, #tpu.memory_space<vmem>>, vector<32x128xi32>
    tpu.vector_store %arg9[%swap3A_109, %swap3A_110], %select_n3A_108 {strides = array<i32>} : memref<32x128xi32, #tpu.memory_space<vmem>>, vector<32x128xi32>,
    return
  }
  func.func @transform_0(%arg0: i32) -> i32 {
    %c0_i32 = arith.constant 0 : i32
    %c0_i32_0 = arith.constant 0 : i32
    return %c0_i32 : i32
  }
  func.func @transform_1(%arg0: i32) -> (i32, i32) {
    %c0_i32 = arith.constant 0 : i32
    %c0_i32_0 = arith.constant 0 : i32
    return %arg0, %c0_i32 : i32, i32
  }
  func.func @transform_2(%arg0: i32) -> (i32, i32) {
    %c0_i32 = arith.constant 0 : i32
    %c0_i32_0 = arith.constant 0 : i32
    return %arg0, %c0_i32 : i32, i32
  }
  func.func @transform_3(%arg0: i32) -> (i32, i32) {
    %c0_i32 = arith.constant 0 : i32
    %c0_i32_0 = arith.constant 0 : i32
    %c0_i32_1 = arith.constant 0 : i32
    return %c0_i32, %c0_i32_0 : i32, i32
  }
  func.func @transform_4(%arg0: i32) -> (i32, i32) {
    %c0_i32 = arith.constant 0 : i32
    %c0_i32_0 = arith.constant 0 : i32
    %c0_i32_1 = arith.constant 0 : i32
    return %c0_i32, %c0_i32_0 : i32, i32
  }
  func.func @transform_5(%arg0: i32) -> (i32, i32) {
    %c0_i32 = arith.constant 0 : i32
    %c0_i32_0 = arith.constant 0 : i32
    return %arg0, %c0_i32 : i32, i32
  }
  func.func @transform_6(%arg0: i32) -> (i32, i32) {
    %c0_i32 = arith.constant 0 : i32
    %c0_i32_0 = arith.constant 0 : i32
    return %arg0, %c0_i32 : i32, i32
  }
  func.func @transform_7(%arg0: i32) -> (i32, i32) {
    %c0_i32 = arith.constant 0 : i32
    %c0_i32_0 = arith.constant 0 : i32
    return %arg0, %c0_i32 : i32, i32
  }
  func.func @transform_8(%arg0: i32) -> (i32, i32) {
    %c0_i32 = arith.constant 0 : i32
    %c0_i32_0 = arith.constant 0 : i32
    return %arg0, %c0_i32 : i32, i32
  }
}

module attributes {stable_mosaic.version = 14 : i64} {
  func.func @_fix_body(%arg0: i32, %arg1: memref<1xi32, #tpu.memory_space<smem>>, %arg2: memref<512x64xf32, #tpu.memory_space<vmem>>, %arg3: memref<5120x64xf32, #tpu.memory_space<vmem>>, %arg4: memref<512x64xf32, #tpu.memory_space<vmem>>) attributes {dimension_semantics = [#tpu.dimension_semantics<arbitrary>], iteration_bounds = array<i64: 9>, scalar_prefetch = 1 : i64, scratch_operands = 0 : i64, tpu.core_type = #tpu.core_type<tc>, window_params = [{transform_indices = @transform_0, window_bounds = array<i64: 512, 64>}, {pipeline_mode = #tpu.pipeline_mode<synchronous>, transform_indices = @transform_1, window_bounds = array<i64: 5120, 64>}, {transform_indices = @transform_2, window_bounds = array<i64: 512, 64>}]} {
    %get3A = arith.constant 0 : index
    %get3A_0 = memref.load %arg1[%get3A] : memref<1xi32, #tpu.memory_space<smem>>
    %jit3A = arith.constant 512 : i64
    %convert_element_type3A = arith.trunci %jit3A : i64 to i32
    %div3A = arith.divsi %get3A_0, %convert_element_type3A : i32
    %sign3A = arith.constant 0 : i32
    %sign3A_1 = arith.cmpi sgt, %get3A_0, %sign3A : i32
    %sign3A_2 = arith.extui %sign3A_1 : i1 to i32
    %sign3A_3 = arith.constant 0 : i32
    %sign3A_4 = arith.cmpi slt, %get3A_0, %sign3A_3 : i32
    %sign3A_5 = arith.extui %sign3A_4 : i1 to i32
    %sign3A_6 = arith.subi %sign3A_2, %sign3A_5 : i32
    %sign3A_7 = arith.constant 0 : i32
    %sign3A_8 = arith.cmpi sgt, %convert_element_type3A, %sign3A_7 : i32
    %sign3A_9 = arith.extui %sign3A_8 : i1 to i32
    %sign3A_10 = arith.constant 0 : i32
    %sign3A_11 = arith.cmpi slt, %convert_element_type3A, %sign3A_10 : i32
    %sign3A_12 = arith.extui %sign3A_11 : i1 to i32
    %sign3A_13 = arith.subi %sign3A_9, %sign3A_12 : i32
    %ne3A = arith.cmpi ne, %sign3A_6, %sign3A_13 : i32
    %rem3A = arith.remsi %get3A_0, %convert_element_type3A : i32
    %ne3A_14 = arith.constant 0 : i32
    %ne3A_15 = arith.cmpi ne, %rem3A, %ne3A_14 : i32
    %and3A = arith.andi %ne3A, %ne3A_15 : i1
    %sub3A = arith.constant 1 : i32
    %sub3A_16 = arith.subi %div3A, %sub3A : i32
    %select_n3A = arith.select %and3A, %sub3A_16, %div3A : i32
    %add3A = arith.addi %select_n3A, %arg0 : i32
    %jit3A_17 = arith.constant 128 : i64
    %convert_element_type3A_18 = arith.trunci %jit3A_17 : i64 to i32
    %eq3A = arith.constant 0 : i32
    %eq3A_19 = arith.cmpi eq, %convert_element_type3A_18, %eq3A : i32
    %jit3A_20 = arith.constant 1 : i32
    %select_n3A_21 = arith.select %eq3A_19, %jit3A_20, %convert_element_type3A_18 : i32
    %rem3A_22 = arith.remsi %add3A, %select_n3A_21 : i32
    %ne3A_23 = arith.constant 0 : i32
    %ne3A_24 = arith.cmpi ne, %rem3A_22, %ne3A_23 : i32
    %lt3A = arith.constant 0 : i32
    %lt3A_25 = arith.cmpi slt, %rem3A_22, %lt3A : i32
    %lt3A_26 = arith.constant 0 : i32
    %lt3A_27 = arith.cmpi slt, %select_n3A_21, %lt3A_26 : i32
    %ne3A_28 = arith.xori %lt3A_25, %lt3A_27 : i1
    %and3A_29 = arith.andi %ne3A_28, %ne3A_24 : i1
    %add3A_30 = arith.addi %rem3A_22, %select_n3A_21 : i32
    %select_n3A_31 = arith.select %and3A_29, %add3A_30, %rem3A_22 : i32
    %mul3A = arith.constant 512 : i32
    %mul3A_32 = arith.muli %select_n3A_31, %mul3A : i32
    %sub3A_33 = arith.subi %mul3A_32, %get3A_0 : i32
    %lt3A_34 = arith.constant 0 : i32
    %lt3A_35 = arith.cmpi slt, %sub3A_33, %lt3A_34 : i32
    %add3A_36 = arith.constant 65536 : i32
    %add3A_37 = arith.addi %sub3A_33, %add3A_36 : i32
    %select_n3A_38 = arith.select %lt3A_35, %add3A_37, %sub3A_33 : i32
    %min3A = arith.constant 4096 : i32
    %min3A_39 = arith.minsi %select_n3A_38, %min3A : i32
    %add3A_40 = arith.constant 512 : i32
    %add3A_41 = arith.addi %add3A_40, %min3A_39 : i32
    %add3A_42 = arith.constant 512 : i32
    %add3A_43 = arith.addi %add3A_42, %select_n3A_38 : i32
    %sub3A_44 = arith.constant 65536 : i32
    %sub3A_45 = arith.subi %add3A_43, %sub3A_44 : i32
    %max3A = arith.constant 0 : i32
    %max3A_46 = arith.maxsi %sub3A_45, %max3A : i32
    %get3A_47 = arith.index_cast %add3A_41 : i32 to index
    %get3A_48 = arith.constant 0 : index
    %get3A_49 = vector.load %arg3[%get3A_47, %get3A_48] : memref<5120x64xf32, #tpu.memory_space<vmem>>, vector<512x64xf32>
    %get3A_50 = arith.index_cast %max3A_46 : i32 to index
    %get3A_51 = arith.constant 0 : index
    %get3A_52 = vector.load %arg3[%get3A_50, %get3A_51] : memref<5120x64xf32, #tpu.memory_space<vmem>>, vector<512x64xf32>
    %iota3A = tpu.iota {dimensions = array<i32: 0>} : vector<512x1xi32>
    %add3A_53 = vector.broadcast %select_n3A_38 : i32 to vector<512x1xi32>
    %add3A_54 = arith.addi %add3A_53, %iota3A : vector<512x1xi32>
    %ge3A = arith.constant 65536 : i32
    %ge3A_55 = vector.broadcast %ge3A : i32 to vector<512x1xi32>
    %ge3A_56 = arith.cmpi sge, %add3A_54, %ge3A_55 : vector<512x1xi32>
    %sub3A_57 = arith.constant 65536 : i32
    %sub3A_58 = vector.broadcast %sub3A_57 : i32 to vector<512x1xi32>
    %sub3A_59 = arith.subi %add3A_54, %sub3A_58 : vector<512x1xi32>
    %select_n3A_60 = arith.select %ge3A_56, %sub3A_59, %add3A_54 : vector<512x1xi1>, vector<512x1xi32>
    %lt3A_61 = arith.constant 4096 : i32
    %lt3A_62 = vector.broadcast %lt3A_61 : i32 to vector<512x1xi32>
    %lt3A_63 = arith.cmpi slt, %select_n3A_60, %lt3A_62 : vector<512x1xi32>
    %broadcast_in_dim3A = vector.shape_cast %ge3A_56 : vector<512x1xi1> to vector<512x1xi1>
    %broadcast_in_dim3A_64 = vector.broadcast %broadcast_in_dim3A : vector<512x1xi1> to vector<512x64xi1>
    %select_n3A_65 = arith.select %broadcast_in_dim3A_64, %get3A_52, %get3A_49 : vector<512x64xi1>, vector<512x64xf32>
    %get3A_66 = arith.constant 0 : index
    %get3A_67 = arith.constant 0 : index
    %get3A_68 = vector.load %arg2[%get3A_66, %get3A_67] : memref<512x64xf32, #tpu.memory_space<vmem>>, vector<512x64xf32>
    %broadcast_in_dim3A_69 = vector.shape_cast %lt3A_63 : vector<512x1xi1> to vector<512x1xi1>
    %broadcast_in_dim3A_70 = vector.broadcast %broadcast_in_dim3A_69 : vector<512x1xi1> to vector<512x64xi1>
    %select_n3A_71 = arith.select %broadcast_in_dim3A_70, %select_n3A_65, %get3A_68 : vector<512x64xi1>, vector<512x64xf32>
    %swap3A = arith.constant 0 : index
    %swap3A_72 = arith.constant 0 : index
    %swap3A_73 = vector.load %arg4[%swap3A, %swap3A_72] : memref<512x64xf32, #tpu.memory_space<vmem>>, vector<512x64xf32>
    tpu.vector_store %arg4[%swap3A, %swap3A_72], %select_n3A_71 {strides = array<i32>} : memref<512x64xf32, #tpu.memory_space<vmem>>, vector<512x64xf32>,
    return
  }
  func.func @transform_0(%arg0: i32, %arg1: memref<1xi32, #tpu.memory_space<smem>>) -> (i32, i32) {
    %get3A = arith.constant 0 : index
    %get3A_0 = memref.load %arg1[%get3A] : memref<1xi32, #tpu.memory_space<smem>>
    %jit3A = arith.constant 512 : i64
    %convert_element_type3A = arith.trunci %jit3A : i64 to i32
    %div3A = arith.divsi %get3A_0, %convert_element_type3A : i32
    %sign3A = arith.constant 0 : i32
    %sign3A_1 = arith.cmpi sgt, %get3A_0, %sign3A : i32
    %sign3A_2 = arith.extui %sign3A_1 : i1 to i32
    %sign3A_3 = arith.constant 0 : i32
    %sign3A_4 = arith.cmpi slt, %get3A_0, %sign3A_3 : i32
    %sign3A_5 = arith.extui %sign3A_4 : i1 to i32
    %sign3A_6 = arith.subi %sign3A_2, %sign3A_5 : i32
    %sign3A_7 = arith.constant 0 : i32
    %sign3A_8 = arith.cmpi sgt, %convert_element_type3A, %sign3A_7 : i32
    %sign3A_9 = arith.extui %sign3A_8 : i1 to i32
    %sign3A_10 = arith.constant 0 : i32
    %sign3A_11 = arith.cmpi slt, %convert_element_type3A, %sign3A_10 : i32
    %sign3A_12 = arith.extui %sign3A_11 : i1 to i32
    %sign3A_13 = arith.subi %sign3A_9, %sign3A_12 : i32
    %ne3A = arith.cmpi ne, %sign3A_6, %sign3A_13 : i32
    %rem3A = arith.remsi %get3A_0, %convert_element_type3A : i32
    %ne3A_14 = arith.constant 0 : i32
    %ne3A_15 = arith.cmpi ne, %rem3A, %ne3A_14 : i32
    %and3A = arith.andi %ne3A, %ne3A_15 : i1
    %sub3A = arith.constant 1 : i32
    %sub3A_16 = arith.subi %div3A, %sub3A : i32
    %select_n3A = arith.select %and3A, %sub3A_16, %div3A : i32
    %add3A = arith.addi %select_n3A, %arg0 : i32
    %jit3A_17 = arith.constant 128 : i64
    %convert_element_type3A_18 = arith.trunci %jit3A_17 : i64 to i32
    %eq3A = arith.constant 0 : i32
    %eq3A_19 = arith.cmpi eq, %convert_element_type3A_18, %eq3A : i32
    %jit3A_20 = arith.constant 1 : i32
    %select_n3A_21 = arith.select %eq3A_19, %jit3A_20, %convert_element_type3A_18 : i32
    %rem3A_22 = arith.remsi %add3A, %select_n3A_21 : i32
    %ne3A_23 = arith.constant 0 : i32
    %ne3A_24 = arith.cmpi ne, %rem3A_22, %ne3A_23 : i32
    %lt3A = arith.constant 0 : i32
    %lt3A_25 = arith.cmpi slt, %rem3A_22, %lt3A : i32
    %lt3A_26 = arith.constant 0 : i32
    %lt3A_27 = arith.cmpi slt, %select_n3A_21, %lt3A_26 : i32
    %ne3A_28 = arith.xori %lt3A_25, %lt3A_27 : i1
    %and3A_29 = arith.andi %ne3A_28, %ne3A_24 : i1
    %add3A_30 = arith.addi %rem3A_22, %select_n3A_21 : i32
    %select_n3A_31 = arith.select %and3A_29, %add3A_30, %rem3A_22 : i32
    %c0_i32 = arith.constant 0 : i32
    %c0_i32_32 = arith.constant 0 : i32
    return %select_n3A_31, %c0_i32 : i32, i32
  }
  func.func @transform_1(%arg0: i32, %arg1: memref<1xi32, #tpu.memory_space<smem>>) -> (i32, i32) {
    %c0_i32 = arith.constant 0 : i32
    %c0_i32_0 = arith.constant 0 : i32
    %c0_i32_1 = arith.constant 0 : i32
    return %c0_i32, %c0_i32_0 : i32, i32
  }
  func.func @transform_2(%arg0: i32, %arg1: memref<1xi32, #tpu.memory_space<smem>>) -> (i32, i32) {
    %get3A = arith.constant 0 : index
    %get3A_0 = memref.load %arg1[%get3A] : memref<1xi32, #tpu.memory_space<smem>>
    %jit3A = arith.constant 512 : i64
    %convert_element_type3A = arith.trunci %jit3A : i64 to i32
    %div3A = arith.divsi %get3A_0, %convert_element_type3A : i32
    %sign3A = arith.constant 0 : i32
    %sign3A_1 = arith.cmpi sgt, %get3A_0, %sign3A : i32
    %sign3A_2 = arith.extui %sign3A_1 : i1 to i32
    %sign3A_3 = arith.constant 0 : i32
    %sign3A_4 = arith.cmpi slt, %get3A_0, %sign3A_3 : i32
    %sign3A_5 = arith.extui %sign3A_4 : i1 to i32
    %sign3A_6 = arith.subi %sign3A_2, %sign3A_5 : i32
    %sign3A_7 = arith.constant 0 : i32
    %sign3A_8 = arith.cmpi sgt, %convert_element_type3A, %sign3A_7 : i32
    %sign3A_9 = arith.extui %sign3A_8 : i1 to i32
    %sign3A_10 = arith.constant 0 : i32
    %sign3A_11 = arith.cmpi slt, %convert_element_type3A, %sign3A_10 : i32
    %sign3A_12 = arith.extui %sign3A_11 : i1 to i32
    %sign3A_13 = arith.subi %sign3A_9, %sign3A_12 : i32
    %ne3A = arith.cmpi ne, %sign3A_6, %sign3A_13 : i32
    %rem3A = arith.remsi %get3A_0, %convert_element_type3A : i32
    %ne3A_14 = arith.constant 0 : i32
    %ne3A_15 = arith.cmpi ne, %rem3A, %ne3A_14 : i32
    %and3A = arith.andi %ne3A, %ne3A_15 : i1
    %sub3A = arith.constant 1 : i32
    %sub3A_16 = arith.subi %div3A, %sub3A : i32
    %select_n3A = arith.select %and3A, %sub3A_16, %div3A : i32
    %add3A = arith.addi %select_n3A, %arg0 : i32
    %jit3A_17 = arith.constant 128 : i64
    %convert_element_type3A_18 = arith.trunci %jit3A_17 : i64 to i32
    %eq3A = arith.constant 0 : i32
    %eq3A_19 = arith.cmpi eq, %convert_element_type3A_18, %eq3A : i32
    %jit3A_20 = arith.constant 1 : i32
    %select_n3A_21 = arith.select %eq3A_19, %jit3A_20, %convert_element_type3A_18 : i32
    %rem3A_22 = arith.remsi %add3A, %select_n3A_21 : i32
    %ne3A_23 = arith.constant 0 : i32
    %ne3A_24 = arith.cmpi ne, %rem3A_22, %ne3A_23 : i32
    %lt3A = arith.constant 0 : i32
    %lt3A_25 = arith.cmpi slt, %rem3A_22, %lt3A : i32
    %lt3A_26 = arith.constant 0 : i32
    %lt3A_27 = arith.cmpi slt, %select_n3A_21, %lt3A_26 : i32
    %ne3A_28 = arith.xori %lt3A_25, %lt3A_27 : i1
    %and3A_29 = arith.andi %ne3A_28, %ne3A_24 : i1
    %add3A_30 = arith.addi %rem3A_22, %select_n3A_21 : i32
    %select_n3A_31 = arith.select %and3A_29, %add3A_30, %rem3A_22 : i32
    %c0_i32 = arith.constant 0 : i32
    %c0_i32_32 = arith.constant 0 : i32
    return %select_n3A_31, %c0_i32 : i32, i32
  }
}

</mosaic_0001>

<sc_bundles>
// kernel: kernel.5.cloned.1.call-start
scs
__scs_entry_jumppad:
0x0: {  	(pc) =	sbr.rel $0x88, $3  }
0x1: {  	(tag) =	ssettag $0x0;
	lr =	simm.s32 $0x1  }
0x2: {  	[smem:$0x3F9C] =	sst lr;
	_ =	strace $0xD0000000  }
0x3: {  	_ = 	snop  }
0x4: {  	_ = 	snop  }
0x5: {  	_ = 	snop  }
0x6: {  	_ = 	snop  }
0x7: {  	_ = 	snop  }
__scs_overlays_trampoline_lowered:
0x8: {  	[smem:$0x3FAB] =	sst s0  }
0x9: {  	[smem:$0x3FAC] =	sst s1  }
0xa: {  	[smem:$0x3FAD] =	sst s2  }
0xb: {  	[smem:$0x3FAE] =	sst s3  }
0xc: {  	[smem:$0x3FAF] =	sst s4  }
0xd: {  	[smem:$0x3FB0] =	sst s5  }
0xe: {  	[smem:$0x3FB1] =	sst s6  }
0xf: {  	[smem:$0x3FB2] =	sst s7  }
0x10: {  	[smem:$0x3FB3] =	sst s8  }
0x11: {  	[smem:$0x3FB4] =	sst s9;
	s0 =	simm.s32 @!p0 $0x0  }
0x12: {  	s1 =	sld [smem:$0x3F9A];
	s0 =	simm.s32 @p0 $0x1  }
0x13: {  	[smem:$0x3FB5] =	sst s0;
	s0 =	simm.s32 @!p1 $0x0  }
0x14: {  	s2 =	sld [smem:$0x3F99];
	s0 =	simm.s32 @p1 $0x1  }
0x15: {  	[smem:$0x3FB6] =	sst s0;
	s0 =	simm.s32 @!p2 $0x0  }
0x16: {  	s3 =	sld [smem:$0x3FDB];
	s0 =	simm.s32 @p2 $0x1  }
0x17: {  	s4 =	simm.s32 $0x1BF5;
	[smem:$0x3FB8] =	sst s0  }
0x18: {  	s0 =	sld [smem:$0x3F9B];
	_ =	swait.ge [sflag:s4], $0x0  }
0x19: {  	s7 =	sld [smem:$0x3F9C]  }
0x1a: {  	s8 =	sadd.s32 $0xFFFFE003, lr  }
0x1b: {  	s9 =	sadd.s32 $0xFFFFFEF7, lr;
	s5 =	simm.s32 $0xFFFFFFFF;
	p2 =	slt.u32 s8, $0xFFFFF086  }
0x1c: {  	p1 =	slt.u32 s9, $0xF7A;
	s5 =	simm.s32 @!p2 $0x0  }
0x1d: {  	s5 =	simm.s32 @p1 $0x1;
	p0 =	seq.s32 s7, s2  }
0x1e: {  	s7 =	smul.u32 @!p0 $0xF7A, s2;
	p2 =	seq.s32 @!p0 s5, $0x0  }
0x1f: {  	s9 =	smul.u32 $0xF7A, s1;
	s8 =	simm.s32 @!p0 $0x1BF5;
	p2 =	por !p2, p0  }
0x20: {  	[sflag:s8] =	ssyncset.s32 @!p0 $0xFFFFF086;
	s6 =	sadd.s32 @!p0 s3, s7;
	s7 =	simm.s32 @!p0 $0x108  }
0x21: {  	s3 =	sadd.s32 s3, s9;
	s6 =	sadd.s32 @!p0 $0x88, s6;
	s7 =	simm.s32 @p2 $0x1082  }
0x22: {  	[simem:s7], [sflag:s8] =	dma.local @!p0 [hbm:s6], $0xF7A  }
0x23: {  	s9 =	sor.u32 $0xD0000000, s2;
	s6 =	simm.s32 $0x108;
	_ =	swait.ge @!p0 [sflag:s8], $0x0  }
0x24: {  	s3 =	sadd.s32 $0x88, s3;
	s6 =	simm.s32 @!p1 $0x1082;
	[sflag:s4] =	ssyncset.s32 $0xFFFFF086  }
0x25: {  	[simem:s6], [sflag:s4] =	dma.local [hbm:s3], $0xF7A  }
0x26: {  	[smem:$0x3F9C] =	sst s1;
	(tag) =	ssettag s2;
	_ =	strace s9  }
0x27: {  	s1 =	sld [smem:$0x3FAC]  }
0x28: {  	s2 =	sld [smem:$0x3FAD]  }
0x29: {  	s4 =	sld [smem:$0x3FAF]  }
0x2a: {  	p0 =	seq.s32 s5, $0x0;
	s5 =	sld [smem:$0x3FB0]  }
0x2b: {  	s6 =	sld [smem:$0x3FB1]  }
0x2c: {  	s7 =	sld [smem:$0x3FB2]  }
0x2d: {  	s3 =	simm.s32 $0x108;
	s8 =	sld [smem:$0x3FB3]  }
0x2e: {  	s3 =	simm.s32 @!p0 $0x1082;
	s9 =	sld [smem:$0x3FB4]  }
0x2f: {  	lr =	sadd.s32 s0, s3;
	s0 =	sld [smem:$0x3FAB]  }
0x30: {  	s3 =	sld [smem:$0x3FAE]  }
0x31: {  	[smem:$0x3FB7] =	sst s10  }
0x32: {  	s10 =	sld [smem:$0x3FB5];
	_ =	sdelay $0x3  }
0x33: {  	p0 =	seq.s32 s10, $0x1;
	s10 =	sld [smem:$0x3FB7];
	_ =	sdelay $0x3  }
0x34: {  	[smem:$0x3FB7] =	sst s10  }
0x35: {  	s10 =	sld [smem:$0x3FB6];
	_ =	sdelay $0x3  }
0x36: {  	p1 =	seq.s32 s10, $0x1;
	s10 =	sld [smem:$0x3FB7];
	_ =	sdelay $0x3  }
0x37: {  	[smem:$0x3FB7] =	sst s10  }
0x38: {  	s10 =	sld [smem:$0x3FB8]  }
0x39: {  	_ = 	snop;
	(pc) =	sbr.ind lr, $3  }
0x3a: {  	_ = 	snop  }
0x3b: {  	_ = 	snop  }
0x3c: {  	p2 =	seq.s32 s10, $0x1;
	s10 =	sld [smem:$0x3FB7]  }
0x3d: {  	_ =	shalt  }
0x3e: {  	_ =	shalt  }
0x3f: {  	_ =	shalt  }
0x40: {  	_ =	shalt  }
0x41: {  	_ =	shalt  }
0x42: {  	_ =	shalt  }
0x43: {  	_ =	shalt  }
0x44: {  	_ =	shalt  }
0x45: {  	_ =	shalt  }
0x46: {  	_ =	shalt  }
0x47: {  	_ =	shalt  }
0x48: {  	_ =	shalt  }
0x49: {  	_ =	shalt  }
0x4a: {  	_ =	shalt  }
0x4b: {  	_ =	shalt  }
0x4c: {  	_ =	shalt  }
0x4d: {  	_ =	shalt  }
0x4e: {  	_ =	shalt  }
0x4f: {  	_ =	shalt  }
0x50: {  	_ =	shalt  }
0x51: {  	_ =	shalt  }
0x52: {  	_ =	shalt  }
0x53: {  	_ =	shalt  }
0x54: {  	_ =	shalt  }
0x55: {  	_ =	shalt  }
0x56: {  	_ =	shalt  }
0x57: {  	_ =	shalt  }
0x58: {  	_ =	shalt  }
0x59: {  	_ =	shalt  }
0x5a: {  	_ =	shalt  }
0x5b: {  	_ =	shalt  }
0x5c: {  	_ =	shalt  }
0x5d: {  	_ =	shalt  }
0x5e: {  	_ =	shalt  }
0x5f: {  	_ =	shalt  }
0x60: {  	_ =	shalt  }
0x61: {  	_ =	shalt  }
0x62: {  	_ =	shalt  }
0x63: {  	_ =	shalt  }
0x64: {  	_ =	shalt  }
0x65: {  	_ =	shalt  }
0x66: {  	_ =	shalt  }
0x67: {  	_ =	shalt  }
0x68: {  	_ =	shalt  }
0x69: {  	_ =	shalt  }
0x6a: {  	_ =	shalt  }
0x6b: {  	_ =	shalt  }
0x6c: {  	_ =	shalt  }
0x6d: {  	_ =	shalt  }
0x6e: {  	_ =	shalt  }
0x6f: {  	_ =	shalt  }
0x70: {  	_ =	shalt  }
0x71: {  	_ =	shalt  }
0x72: {  	_ =	shalt  }
0x73: {  	_ =	shalt  }
0x74: {  	_ =	shalt  }
0x75: {  	_ =	shalt  }
0x76: {  	_ =	shalt  }
0x77: {  	_ =	shalt  }
0x78: {  	_ =	shalt  }
0x79: {  	_ =	shalt  }
0x7a: {  	_ =	shalt  }
0x7b: {  	_ =	shalt  }
0x7c: {  	_ =	shalt  }
0x7d: {  	_ =	shalt  }
0x7e: {  	_ =	shalt  }
0x7f: {  	_ =	shalt  }
0x80: {  	_ =	shalt  }
0x81: {  	_ =	shalt  }
0x82: {  	_ =	shalt  }
0x83: {  	_ =	shalt  }
0x84: {  	_ =	shalt  }
0x85: {  	_ =	shalt  }
0x86: {  	_ =	shalt  }
0x87: {  	_ =	shalt  }
.Lfunc_end0:
.L_simem_size_0:
called_computation_lowered:
.L_overlay_start_0:
0x88: {  	s2 =	sld [smem:$0x3FD9]  }
0x89: {  	s3 =	sld [smem:$0x3FFE];
	_ =	sdelay $0x1  }
0x8a: {  	s1 =	srdreg.scid  }
0x8b: {  	s0 =	sand.u32 $0x1, s1  }
0x8c: {  	s16 =	sshll.u32 s0, $0xA;
	s2 =	sadd.s32 s3, s2  }
0x8d: {  	s2 =	sadd.s32 s2, s16  }
0x8e: {  	[smem:$0x3FC3] =	sst s2  }
0x8f: {  	_ = 	snop  }
0x90: {  	(tm) =	ssettm $0x1  }
0x91: {  	s17 =	sld [smem:$0x3FFB];
	_ =	sdelay $0x3  }
0x92: {  	_ =	strace s17  }
0x93: {  	s2 =	sld [smem:$0x3FFC];
	_ =	sdelay $0x3  }
0x94: {  	_ =	strace s2  }
0x95: {  	s2 =	sld [smem:$0x3FFD];
	_ =	sdelay $0x3  }
0x96: {  	_ =	strace s2  }
0x97: {  	_ =	strace $0x8FFFFFFF  }
0x98: {  	s18 =	sld [smem:$0x3FDB];
	_ =	sdelay $0x1  }
0x99: {  	s19 =	simm.s32 $_scs_section_size  }
0x9a: {  	s4 =	simm.s32 $_size__tile_overlayer_lowered;
	s5 =	simm.s32 $_tile_overlayer_lowered  }
0x9b: {  	s22 =	simm.s32 $0x1BFF;
	s21 =	sshll.u32 s5, $0x1;
	s2 =	sadd.s32 s19, s18  }
0x9c: {  	s6 =	simm.s32 $0x0;
	s20 =	sshll.u32 s4, $0x1;
	s4 =	sadd.s32 s21, s2  }
0x9d: {  	[timem:s6], [sflag:s22] =	dma.local [hbm:s4], s20  }
0x9e: {  	_ =	swait.ge [sflag:s22], s20  }
0x9f: {  	s3 =	ssub.s32 $0x0, s20;
	[sflag:s22] =	ssyncset.done $0x0  }
0xa0: {  	[sflag:s22] =	ssyncadd.s32 s3;
	_ =	sdelay $0x1  }
0xa1: {  	s23 =	simm.s32 $0x1B8B  }
0xa2: {  	_ =	swait.ge [sflag:s23], $0x1  }
0xa3: {  	[sflag:s23] =	ssyncset.done $0x0  }
0xa4: {  	s25 =	simm.s32 $0x1B8E;
	s24 =	sld [smem:$0x3FFE];
	[sflag:s23] =	ssyncadd.s32 $0xFFFFFFFF  }
0xa5: {  	s26 =	simm.s32 $execute0_lowered;
	[smem:$0x3FD2] =	sst s25  }
0xa6: {  	s4 =	sshll.u32 s26, $0x1;
	_ =	strace $0x80000046;
	[dreg:$0x1] =	wrdreg $0xFFFFFFFF  }
0xa7: {  	s28 =	simm.s32 $_size_execute0_lowered;
	s2 =	sadd.s32 s2, s4;
	[dreg:$0x0] =	wrdreg $0x0  }
0xa8: {  	s4 =	sshll.u32 s28, $0x1;
	[dreg:$0x2] =	wrdreg s2  }
0xa9: {  	[dreg:$0x3] =	wrdreg s4  }
0xaa: {  	[dreg:$0x4] =	wrdreg $0xC0  }
0xab: {  	_ =	task [dreg:s6], $0x5FFFF  }
0xac: {  	[dreg:$0x1] =	wrdreg $0xFFFFFFFF  }
0xad: {  	[dreg:$0x0] =	wrdreg $0x60  }
0xae: {  	[dreg:$0x2] =	wrdreg s24  }
0xaf: {  	[dreg:$0x3] =	wrdreg $0x9  }
0xb0: {  	_ =	task.clear_ibuf [dreg:s6], $0x4FFFF;
	_ =	strace $0x90000046  }
0xb1: {  	s29 =	simm.s32 $0x9;
	_ =	strace $0x80000048  }
0xb2: {  	_ =	swait.ge [sflag:s29], $0x1  }
0xb3: {  	[sflag:s29] =	ssyncadd.s32 $0xFFFFFFFF  }
0xb4: {  	_ =	strace $0x90000048  }
0xb5: {  	_ =	sfence  }
0xb6: {  	s30 =	sld [smem:$0x0];
	_ =	sdelay $0x2  }
0xb7: {  	s31 =	sshll.u32 s1, $0xD;
	s1 =	sshrl.u32 s1, $0x2  }
0xb8: {  	s3 =	sand.u32 $0x4000, s31;
	s1 =	sadd.s32 s1, s30  }
0xb9: {  	s0 =	sor.u32 s3, s0;
	s1 =	sshll.u32 s1, $0x11  }
0xba: {  	s0 =	sor.u32 s1, s0  }
0xbb: {  	s0 =	sadd.s32 $0x8F2B, s0  }
0xbc: {  	[sflag:s0] =	ssyncadd.remote.s32 $0x1  }
0xbd: {  	_ =	sfence.sel $0xFFFF  }
0xbe: {  	[dreg:$0x0] =	wrdreg $0xFFFFFFFF;
	(pc) =	sbr.abs _section_cstart, $3  }
0xbf: {  	[dreg:$0x1] =	wrdreg $0xFFFFFFFF  }
0xc0: {  	_ =	task.clear_ibuf [dreg:s6], $0x2FFFF;
	_ =	strace $0x9FFFFFFF  }
0xc1: {  	(tm) =	ssettm $0x7FFFFFFF  }
tec
execute0_lowered:
.L_overlay_start_1:
0x0: {  	(tag) =	ssettag $0x1  }
0x1: {  	s5 =	rddreg [dreg:$0x0];
	s2 =	srdreg.scid  }
0x2: {  	s0 =	rddreg [dreg:$0x1];
	s1 =	stileid.u32;
	s22 =	sand.u32 $0x1, s2  }
0x3: {  	s2 =	simm.s32 $0x0;
	s3 =	sshll.u32 s1, $0x10;
	s4 =	sshll.u32 s22, $0xF  }
0x4: {  	s19 =	sadd.s32 $0x1600, s5;
	[smem:$0x7FF] =	sst s2;
	s20 =	sor.u32 s4, s3  }
0x5: {  	_ =	strace $0x80000047;
	s4 =	simm.s32 $0x1;
	s3 =	sadd.s32 s19, s20  }
0x6: {  	[tilespmem:s2], [sflag:$0x1] =	stream.linear.gather [hbm4b:s3+s2], $0x10000, $0x38;
	v63 =	vld [tilespmem:$0x0]  }
0x7: {  	_ =	swait.ge [sflag:s4], $0x10000  }
0x8: {  	s21 =	sadd.s32 $0x101600, s5;
	[sflag:s4] =	ssyncset.done $0x0  }
0x9: {  	s23 =	sadd.s32 $0x201600, s5;
	s5 =	sadd.s32 s21, s20;
	[sflag:s4] =	ssyncadd.s32 $0xFFFF0000  }
0xa: {  	[hbm4b:s5+s2] =	stream.linear.scatter [tilespmem:s2], [sflag:$0x3], $0x10000, $0x38;
	v63 =	vld [tilespmem:$0x0]  }
0xb: {  	s6 =	sadd.s32 s23, s20;
	s11 =	sor.u32 $0x2000, s20  }
0xc: {  	[hbm4b:s6+s2] =	stream.linear.scatter [tilespmem:s2], [sflag:$0x5], $0x10000, $0x38;
	v63 =	vld [tilespmem:$0x0]  }
0xd: {  	s8 =	simm.s32 $0x10000;
	s9 =	simm.s32 $0x2;
	s7 =	sadd.s32 s19, s11  }
0xe: {  	[tilespmem:s8], [sflag:$0x2] =	stream.linear.gather [hbm4b:s7+s2], $0x10000, $0x38;
	v63 =	vld [tilespmem:$0x0]  }
0xf: {  	_ =	swait.ge [sflag:s9], $0x10000  }
0x10: {  	[sflag:s9] =	ssyncset.done $0x0  }
0x11: {  	s10 =	sadd.s32 s21, s11;
	[sflag:s9] =	ssyncadd.s32 $0xFFFF0000  }
0x12: {  	[hbm4b:s10+s2] =	stream.linear.scatter [tilespmem:s8], [sflag:$0x4], $0x10000, $0x38;
	v63 =	vld [tilespmem:$0x0]  }
0x13: {  	s12 =	simm.s32 $0x3;
	s11 =	sadd.s32 s23, s11  }
0x14: {  	[hbm4b:s11+s2] =	stream.linear.scatter [tilespmem:s8], [sflag:$0x6], $0x10000, $0x38;
	v63 =	vld [tilespmem:$0x0]  }
0x15: {  	_ =	swait.ge [sflag:s12], $0x10000  }
0x16: {  	[sflag:s12] =	ssyncset.done $0x0  }
0x17: {  	s13 =	simm.s32 $0x5;
	[sflag:s12] =	ssyncadd.s32 $0xFFFF0000  }
0x18: {  	_ =	swait.ge [sflag:s13], $0x10000  }
0x19: {  	s16 =	sor.u32 $0x4000, s20;
	[sflag:s13] =	ssyncset.done $0x0  }
0x1a: {  	s14 =	sadd.s32 s19, s16;
	[sflag:s13] =	ssyncadd.s32 $0xFFFF0000  }
0x1b: {  	[tilespmem:s2], [sflag:$0x1] =	stream.linear.gather [hbm4b:s14+s2], $0x10000, $0x38;
	v63 =	vld [tilespmem:$0x0]  }
0x1c: {  	_ =	swait.ge [sflag:s4], $0x10000  }
0x1d: {  	[sflag:s4] =	ssyncset.done $0x0  }
0x1e: {  	s15 =	sadd.s32 s21, s16;
	[sflag:s4] =	ssyncadd.s32 $0xFFFF0000  }
0x1f: {  	[hbm4b:s15+s2] =	stream.linear.scatter [tilespmem:s2], [sflag:$0x3], $0x10000, $0x38;
	v63 =	vld [tilespmem:$0x0]  }
0x20: {  	s17 =	simm.s32 $0x4;
	s16 =	sadd.s32 s23, s16  }
0x21: {  	[hbm4b:s16+s2] =	stream.linear.scatter [tilespmem:s2], [sflag:$0x5], $0x10000, $0x38;
	v63 =	vld [tilespmem:$0x0]  }
0x22: {  	_ =	swait.ge [sflag:s17], $0x10000  }
0x23: {  	[sflag:s17] =	ssyncset.done $0x0  }
0x24: {  	s18 =	simm.s32 $0x6;
	[sflag:s17] =	ssyncadd.s32 $0xFFFF0000  }
0x25: {  	_ =	swait.ge [sflag:s18], $0x10000  }
0x26: {  	s24 =	sor.u32 $0x6000, s20;
	[sflag:s18] =	ssyncset.done $0x0  }
0x27: {  	s19 =	sadd.s32 s19, s24;
	[sflag:s18] =	ssyncadd.s32 $0xFFFF0000  }
0x28: {  	[tilespmem:s8], [sflag:$0x2] =	stream.linear.gather [hbm4b:s19+s2], $0x10000, $0x38;
	v63 =	vld [tilespmem:$0x0]  }
0x29: {  	_ =	swait.ge [sflag:s9], $0x10000  }
0x2a: {  	[sflag:s9] =	ssyncset.done $0x0  }
0x2b: {  	s20 =	sadd.s32 s21, s24;
	[sflag:s9] =	ssyncadd.s32 $0xFFFF0000  }
0x2c: {  	[hbm4b:s20+s2] =	stream.linear.scatter [tilespmem:s8], [sflag:$0x4], $0x10000, $0x38;
	v63 =	vld [tilespmem:$0x0]  }
0x2d: {  	s21 =	sadd.s32 s23, s24  }
0x2e: {  	[hbm4b:s21+s2] =	stream.linear.scatter [tilespmem:s8], [sflag:$0x6], $0x10000, $0x38;
	v63 =	vld [tilespmem:$0x0]  }
0x2f: {  	_ =	swait.ge [sflag:s12], $0x10000  }
0x30: {  	s22 =	ssub.s32 $0x2, s22;
	[sflag:s12] =	ssyncset.done $0x0  }
0x31: {  	s31 =	sshrl.u32 s22, $0x1;
	[sflag:s12] =	ssyncadd.s32 $0xFFFF0000  }
0x32: {  	s22 =	ssub.s32 s22, s31;
	_ =	swait.ge [sflag:s13], $0x10000  }
0x33: {  	s22 =	smax.u32 s22, $0x1;
	[sflag:s13] =	ssyncset.done $0x0  }
0x34: {  	p0 =	sne.s32 s22, $0x1;
	[sflag:s13] =	ssyncadd.s32 $0xFFFF0000  }
.Ltmp0:
0x35: {  	_ =	swait.ge [sflag:s17], $0x10000;
	(pc) =	sbr.rel @!p0 .LBB2_2-.Ltmp0, $4  }
0x36: {  	[sflag:s17] =	ssyncset.done $0x0  }
0x37: {  	[sflag:s17] =	ssyncadd.s32 $0xFFFF0000  }
0x38: {  	_ =	swait.ge [sflag:s18], $0x10000  }
0x39: {  	s22 =	sadd.s32 $0xFFFFFFFF, s22;
	[sflag:s18] =	ssyncset.done $0x0  }
.LBB2_1:
0x3a: {  	p0 =	sne.s32 s22, $0x1;
	s22 =	sadd.s32 $0xFFFFFFFF, s22;
	[sflag:s18] =	ssyncadd.s32 $0xFFFF0000  }
0x3b: {  	[tilespmem:s2], [sflag:$0x1] =	stream.linear.gather [hbm4b:s3+s2], $0x10000, $0x38;
	v63 =	vld [tilespmem:$0x0]  }
0x3c: {  	_ =	swait.ge [sflag:s4], $0x10000  }
0x3d: {  	[sflag:s4] =	ssyncset.done $0x0  }
0x3e: {  	[sflag:s4] =	ssyncadd.s32 $0xFFFF0000  }
0x3f: {  	[hbm4b:s5+s2] =	stream.linear.scatter [tilespmem:s2], [sflag:$0x3], $0x10000, $0x38;
	v63 =	vld [tilespmem:$0x0]  }
0x40: {  	_ = 	snop  }
0x41: {  	[hbm4b:s6+s2] =	stream.linear.scatter [tilespmem:s2], [sflag:$0x5], $0x10000, $0x38;
	v63 =	vld [tilespmem:$0x0]  }
0x42: {  	_ = 	snop  }
0x43: {  	[tilespmem:s8], [sflag:$0x2] =	stream.linear.gather [hbm4b:s7+s2], $0x10000, $0x38;
	v63 =	vld [tilespmem:$0x0]  }
0x44: {  	_ =	swait.ge [sflag:s9], $0x10000  }
0x45: {  	[sflag:s9] =	ssyncset.done $0x0  }
0x46: {  	[sflag:s9] =	ssyncadd.s32 $0xFFFF0000  }
0x47: {  	[hbm4b:s10+s2] =	stream.linear.scatter [tilespmem:s8], [sflag:$0x4], $0x10000, $0x38;
	v63 =	vld [tilespmem:$0x0]  }
0x48: {  	_ = 	snop  }
0x49: {  	[hbm4b:s11+s2] =	stream.linear.scatter [tilespmem:s8], [sflag:$0x6], $0x10000, $0x38;
	v63 =	vld [tilespmem:$0x0]  }
0x4a: {  	_ =	swait.ge [sflag:s12], $0x10000  }
0x4b: {  	[sflag:s12] =	ssyncset.done $0x0  }
0x4c: {  	[sflag:s12] =	ssyncadd.s32 $0xFFFF0000  }
0x4d: {  	_ =	swait.ge [sflag:s13], $0x10000  }
0x4e: {  	[sflag:s13] =	ssyncset.done $0x0  }
0x4f: {  	[sflag:s13] =	ssyncadd.s32 $0xFFFF0000  }
0x50: {  	[tilespmem:s2], [sflag:$0x1] =	stream.linear.gather [hbm4b:s14+s2], $0x10000, $0x38;
	v63 =	vld [tilespmem:$0x0]  }
0x51: {  	_ =	swait.ge [sflag:s4], $0x10000  }
0x52: {  	[sflag:s4] =	ssyncset.done $0x0  }
0x53: {  	[sflag:s4] =	ssyncadd.s32 $0xFFFF0000  }
0x54: {  	[hbm4b:s15+s2] =	stream.linear.scatter [tilespmem:s2], [sflag:$0x3], $0x10000, $0x38;
	v63 =	vld [tilespmem:$0x0]  }
0x55: {  	_ = 	snop  }
0x56: {  	[hbm4b:s16+s2] =	stream.linear.scatter [tilespmem:s2], [sflag:$0x5], $0x10000, $0x38;
	v63 =	vld [tilespmem:$0x0]  }
0x57: {  	_ =	swait.ge [sflag:s17], $0x10000  }
0x58: {  	[sflag:s17] =	ssyncset.done $0x0  }
0x59: {  	[sflag:s17] =	ssyncadd.s32 $0xFFFF0000  }
0x5a: {  	_ =	swait.ge [sflag:s18], $0x10000  }
0x5b: {  	[sflag:s18] =	ssyncset.done $0x0  }
0x5c: {  	[sflag:s18] =	ssyncadd.s32 $0xFFFF0000  }
0x5d: {  	[tilespmem:s8], [sflag:$0x2] =	stream.linear.gather [hbm4b:s19+s2], $0x10000, $0x38;
	v63 =	vld [tilespmem:$0x0]  }
0x5e: {  	_ =	swait.ge [sflag:s9], $0x10000  }
0x5f: {  	[sflag:s9] =	ssyncset.done $0x0  }
0x60: {  	[sflag:s9] =	ssyncadd.s32 $0xFFFF0000  }
0x61: {  	[hbm4b:s20+s2] =	stream.linear.scatter [tilespmem:s8], [sflag:$0x4], $0x10000, $0x38;
	v63 =	vld [tilespmem:$0x0]  }
0x62: {  	_ = 	snop  }
0x63: {  	[hbm4b:s21+s2] =	stream.linear.scatter [tilespmem:s8], [sflag:$0x6], $0x10000, $0x38;
	v63 =	vld [tilespmem:$0x0]  }
0x64: {  	_ =	swait.ge [sflag:s12], $0x10000  }
0x65: {  	[sflag:s12] =	ssyncset.done $0x0  }
0x66: {  	[sflag:s12] =	ssyncadd.s32 $0xFFFF0000  }
0x67: {  	_ =	swait.ge [sflag:s13], $0x10000  }
0x68: {  	[sflag:s13] =	ssyncset.done $0x0  }
0x69: {  	[sflag:s13] =	ssyncadd.s32 $0xFFFF0000  }
.Ltmp1:
0x6a: {  	_ =	swait.ge [sflag:s17], $0x10000;
	(pc) =	sbr.rel @p0 .LBB2_1-.Ltmp1, $4  }
0x6b: {  	[sflag:s17] =	ssyncset.done $0x0  }
0x6c: {  	[sflag:s17] =	ssyncadd.s32 $0xFFFF0000  }
0x6d: {  	_ =	swait.ge [sflag:s18], $0x10000  }
0x6e: {  	[sflag:s18] =	ssyncset.done $0x0  }
.LBB2_2:
0x6f: {  	[sflag:s18] =	ssyncadd.s32 $0xFFFF0000  }
0x70: {  	_ =	sfence.sel $0x180000  }
0x71: {  	[bflag:$0x0] =	sbarrier.arrive $0xFFFF  }
0x72: {  	p0 =	sne.s32 s1, $0x0;
	_ =	strace $0x90000047  }
0x73: {  	s0 =	sadd.s32 @!p0 $0x100000, s0;
	[bflag:$0x2] =	sbarrier.arrive $0xFFFF  }
0x74: {  	[sflag:s0] =	ssyncadd.tile.s32 @!p0 $0x1;
	_ =	shalt  }
.Lfunc_end2:
_tile_overlayer_lowered:
.L_overlay_start_2:
0x75: {  	(tag) =	ssettag $0x2  }
0x76: {  	s0 =	rddreg [dreg:$0x0];
	s2 =	stileid.u32  }
0x77: {  	s1 =	rddreg [dreg:$0x1];
	p0 =	sne.s32 s2, $0x0  }
0x78: {  	s3 =	rddreg [dreg:$0x2];
	[bflag:$0x3] =	sbarrier.arrive $0xFFFF;
	s2 =	simm.s32 @!p0 $0x1C07  }
0x79: {  	[timem:s3], [sflag:s2] =	dma.local @!p0 [hbm:s0], s1  }
0x7a: {  	s0 =	simm.s32 @!p0 $0x7  }
0x7b: {  	_ =	swait.ge @!p0 [sflag:s0], s1  }
0x7c: {  	s1 =	ssub.s32 @!p0 $0x0, s1;
	[sflag:s0] =	ssyncset.done @!p0 $0x0  }
0x7d: {  	[sflag:s0] =	ssyncadd.s32 @!p0 s1  }
0x7e: {  	[bflag:$0x3] =	sbarrier.arrive $0xFFFF  }
0x7f: {  	_ =	shalt  }

</sc_bundles>
